<compile_context>
chip_gen: v7x
topology: tpu7x:2x2x1
jax: 0.10.2.dev20260603
libtpu: 0.0.44.dev20260713+nightly
codegen_flags: <defaults>
</compile_context>

<pallas_src>
import functools

import jax
import jax.numpy as jnp
from jax import lax
from jax.experimental import pallas as pl
from jax.experimental.pallas import tpu as pltpu
from jax.experimental.pallas import tpu_sc as plsc

_C = 512
_ODIM = 128
_A = 2048
_NC = 2
_NS = 16
_L = 16
_APS = _A // _NS
_ROWS_OUT = _C // (_NC * _NS)
_ROWS_Z = _C // _NS


_NW_FLAT = _C * _ODIM
_ZPS = _NW_FLAT // _NS
_OPS = _NW_FLAT // (_NC * _NS)


def _build_w_sc(alloW, phone, phoneme):
    mesh = plsc.VectorSubcoreMesh(core_axis_name="c", subcore_axis_name="s")

    @functools.partial(
        pl.kernel,
        mesh=mesh,
        out_type=jax.ShapeDtypeStruct((_NW_FLAT,), jnp.float32),
        scratch_types=[
            pltpu.VMEM((_APS,), jnp.int32),
            pltpu.VMEM((_APS,), jnp.int32),
            pltpu.VMEM((_APS,), jnp.float32),
            pltpu.VMEM((_APS,), jnp.int32),
            pltpu.VMEM((_APS,), jnp.float32),
            pltpu.VMEM((_ZPS,), jnp.float32),
            pltpu.VMEM_SHARED((_NW_FLAT,), jnp.float32),
            pltpu.SemaphoreType.DMA,
            pltpu.SemaphoreType.DMA,
        ],
    )
    def build(alloW_hbm, phone_hbm, phoneme_hbm, w_hbm,
              phone_v, pm_v, aw_v, idx_v, val_v, zero_v, acc_sh,
              sem_in, sem_z):
        cid = lax.axis_index("c")
        sid = lax.axis_index("s")
        abase = sid * _APS

        cp_ph = pltpu.async_copy(phone_hbm.at[pl.ds(abase, _APS)], phone_v, sem_in)
        cp_pm = pltpu.async_copy(phoneme_hbm.at[pl.ds(abase, _APS)], pm_v, sem_in)
        cp_aw = pltpu.async_copy(alloW_hbm.at[pl.ds(abase, _APS)], aw_v, sem_in)

        zvec = jnp.zeros((_L,), jnp.float32)

        def zero_body(i, carry):
            for u in range(8):
                zero_v[pl.ds((i * 8 + u) * _L, _L)] = zvec
            return carry

        lax.fori_loop(0, _ZPS // (_L * 8), zero_body, 0)

        cp_z = pltpu.async_copy(zero_v, acc_sh.at[pl.ds(sid * _ZPS, _ZPS)], sem_z)

        cp_ph.wait()
        cp_pm.wait()
        cp_aw.wait()

        for c in range(_APS // _L):
            sl = pl.ds(c * _L, _L)
            idx_v[sl] = phone_v[sl] * _ODIM + pm_v[sl]
            val_v[sl] = jnp.exp(aw_v[sl])

        cp_z.wait()
        plsc.subcore_barrier()

        pltpu.sync_copy(val_v, acc_sh.at[idx_v], add=True)
        plsc.subcore_barrier()

        obase = cid * (_NW_FLAT // _NC) + sid * _OPS
        pltpu.sync_copy(acc_sh.at[pl.ds(obase, _OPS)],
                        w_hbm.at[pl.ds(obase, _OPS)])

    return build(alloW, phone, phoneme)


def _allo_tc_body(x_ref, w_ref, o_ref):
    e = jnp.exp(x_ref[...])
    s = jnp.sum(e, axis=-1, keepdims=True)
    y = jnp.dot(e, w_ref[...], preferred_element_type=jnp.float32)
    o_ref[...] = jnp.log(y / s)


def kernel(hs_pad, alloW, phone_arc_labels, phoneme_arc_labels):
    B, T, C = hs_pad.shape
    N = B * T
    w = _build_w_sc(alloW, phone_arc_labels, phoneme_arc_labels).reshape(_C, _ODIM)

    bt = 4096
    grid = (N // bt,)
    out = pl.pallas_call(
        _allo_tc_body,
        grid=grid,
        in_specs=[
            pl.BlockSpec((bt, C), lambda i: (i, 0)),
            pl.BlockSpec((_C, _ODIM), lambda i: (0, 0)),
        ],
        out_specs=pl.BlockSpec((bt, _ODIM), lambda i: (i, 0)),
        out_shape=jax.ShapeDtypeStruct((N, _ODIM), jnp.float32),
    )(hs_pad.reshape(N, C), w)
    return out.reshape(B, T, _ODIM)

# --- scband reference (transcript-rebuilt; emitter-appended) ---
"""Pipeline reference for scband-allo-layer-23888608100591 (READ-ONLY COPY).

The authoritative reference and input builder live on the scoring server;
editing this copy changes nothing except your own understanding.
"""

import jax, jax.numpy as jnp
import numpy as np

B, T, C = 8, 2048, 512
A = 2048
ODIM = 128

def setup_inputs(seed: int = 0) -> dict:
    key = jax.random.key(seed)
    k1, k2, k3, k4 = jax.random.split(key, 4)
    hs_pad = jax.random.normal(k1, (B, T, C), dtype=jnp.float32)
    alloW = jax.random.normal(k2, (A,), dtype=jnp.float32) * 0.1
    phone_arc_labels = jax.random.randint(k3, (A,), 0, C, dtype=jnp.int32)
    # guarantee every phoneme is covered by at least one arc so log(sum exp) stays finite
    rand_tail = jax.random.randint(k4, (A - ODIM,), 0, ODIM, dtype=jnp.int32)
    phoneme_arc_labels = jnp.concatenate([jnp.arange(ODIM, dtype=jnp.int32), rand_tail])
    return {
        "hs_pad": hs_pad,
        "alloW": alloW,
        "phone_arc_labels": phone_arc_labels,
        "phoneme_arc_labels": phoneme_arc_labels,
    }

def reference(hs_pad, alloW, phone_arc_labels, phoneme_arc_labels):
    # log_softmax over phone logits (AlloLayer.forward)
    log_probs = jax.nn.log_softmax(hs_pad, axis=-1)
    # GTN intersect(linear_graph(log_probs), alloG) reduces to per-arc gather + arc weight add:
    # new_emissions[b, t, a] = log_probs[b, t, phone_arc_labels[a]] + alloW[a]
    new_emissions = jnp.take(log_probs, phone_arc_labels, axis=-1) + alloW[None, None, :]
    # squash_many_phonemes_for_one_phone: exp -> scatter-add (index_add_ over last dim) -> log
    exp_e = jnp.exp(new_emissions)
    squashed = jnp.zeros((hs_pad.shape[0], hs_pad.shape[1], ODIM), dtype=exp_e.dtype)
    squashed = squashed.at[:, :, phoneme_arc_labels].add(exp_e)
    return jnp.log(squashed)

if __name__ == "__main__":
    import jax
    _d = setup_inputs()
    print(jax.jit(kernel)(*tuple(_d.values())))

</pallas_src>

<mosaic_0001>
#map = affine_map<(d0, d1) -> (0)>
module attributes {stable_mosaic.version = 14 : i64} {
  func.func @build(%arg0: i32, %arg1: i32, %arg2: memref<2048xf32, #tpu.memory_space<hbm>>, %arg3: memref<2048xi32, #tpu.memory_space<hbm>>, %arg4: memref<2048xi32, #tpu.memory_space<hbm>>, %arg5: memref<65536xf32, #tpu.memory_space<hbm>>, %arg6: memref<128xi32, #tpu.memory_space<vmem>>, %arg7: memref<128xi32, #tpu.memory_space<vmem>>, %arg8: memref<128xf32, #tpu.memory_space<vmem>>, %arg9: memref<128xi32, #tpu.memory_space<vmem>>, %arg10: memref<128xf32, #tpu.memory_space<vmem>>, %arg11: memref<4096xf32, #tpu.memory_space<vmem>>, %arg12: memref<65536xf32, #tpu.memory_space<vmem_shared>>, %arg13: memref<!tpu.dma_semaphore, #tpu.memory_space<semaphore_mem>>, %arg14: memref<!tpu.dma_semaphore, #tpu.memory_space<semaphore_mem>>) attributes {dimension_semantics = [#tpu.dimension_semantics<core_parallel>, #tpu.dimension_semantics<subcore_parallel>], iteration_bounds = array<i64: 2, 16>, scalar_prefetch = 0 : i64, scratch_operands = 9 : i64, tpu.core_type = #tpu.core_type<sc_vector_subcore>, window_params = [{transform_indices = #map}, {transform_indices = #map}, {transform_indices = #map}, {transform_indices = #map}]} {
    %mul3A = arith.constant 128 : i32
    %mul3A_0 = arith.muli %arg1, %mul3A : i32
    %dma_start3A = tpu.memref_slice %arg3[%mul3A_0] : memref<2048xi32, #tpu.memory_space<hbm>> -> memref<128xi32, #tpu.memory_space<hbm>>
    %dma_start3A_1 = tpu.memref_slice %arg3[%mul3A_0] : memref<2048xi32, #tpu.memory_space<hbm>> -> memref<128xi32, #tpu.memory_space<hbm>>
    tpu.enqueue_dma source(%dma_start3A_1 : memref<128xi32, #tpu.memory_space<hbm>>) target(%arg6 : memref<128xi32, #tpu.memory_space<vmem>>) target_semaphore(%arg13 : memref<!tpu.dma_semaphore, #tpu.memory_space<semaphore_mem>>)
    %dma_start3A_2 = tpu.memref_slice %arg4[%mul3A_0] : memref<2048xi32, #tpu.memory_space<hbm>> -> memref<128xi32, #tpu.memory_space<hbm>>
    %dma_start3A_3 = tpu.memref_slice %arg4[%mul3A_0] : memref<2048xi32, #tpu.memory_space<hbm>> -> memref<128xi32, #tpu.memory_space<hbm>>
    tpu.enqueue_dma source(%dma_start3A_3 : memref<128xi32, #tpu.memory_space<hbm>>) target(%arg7 : memref<128xi32, #tpu.memory_space<vmem>>) target_semaphore(%arg13 : memref<!tpu.dma_semaphore, #tpu.memory_space<semaphore_mem>>)
    %dma_start3A_4 = tpu.memref_slice %arg2[%mul3A_0] : memref<2048xf32, #tpu.memory_space<hbm>> -> memref<128xf32, #tpu.memory_space<hbm>>
    %dma_start3A_5 = tpu.memref_slice %arg2[%mul3A_0] : memref<2048xf32, #tpu.memory_space<hbm>> -> memref<128xf32, #tpu.memory_space<hbm>>
    tpu.enqueue_dma source(%dma_start3A_5 : memref<128xf32, #tpu.memory_space<hbm>>) target(%arg8 : memref<128xf32, #tpu.memory_space<vmem>>) target_semaphore(%arg13 : memref<!tpu.dma_semaphore, #tpu.memory_space<semaphore_mem>>)
    %broadcast_in_dim3A = arith.constant 0.000000e+00 : f32
    %broadcast_in_dim3A_6 = vector.broadcast %broadcast_in_dim3A : f32 to vector<16xf32>
    %scan3A = arith.constant 0 : i32
    %scan3A_7 = arith.constant 0 : i32
    %scan3A_8 = arith.constant 32 : i32
    %scan3A_9 = arith.addi %scan3A_7, %scan3A_8 : i32
    %scan3A_10 = arith.constant 1 : i32
    scf.for %scan3A_201 = %scan3A_7 to %scan3A_9 step %scan3A_10  : i32 {
      %mul3A_202 = arith.constant 8 : i32
      %mul3A_203 = arith.muli %scan3A_201, %mul3A_202 : i32
      %add3A_204 = arith.constant 0 : i32
      %add3A_205 = arith.addi %mul3A_203, %add3A_204 : i32
      %mul3A_206 = arith.constant 16 : i32
      %mul3A_207 = arith.muli %add3A_205, %mul3A_206 : i32
      %swap3A_208 = arith.index_cast %mul3A_207 : i32 to index
      %swap3A_209 = tpu.vector_load %arg11[%swap3A_208] {strides = array<i32>} : memref<4096xf32, #tpu.memory_space<vmem>>, vector<16xf32>,
      %swap3A_210 = vector.shape_cast %swap3A_209 : vector<16xf32> to vector<16xf32>
      %swap3A_211 = vector.shape_cast %broadcast_in_dim3A_6 : vector<16xf32> to vector<16xf32>
      tpu.vector_store %arg11[%swap3A_208], %swap3A_211 {strides = array<i32>} : memref<4096xf32, #tpu.memory_space<vmem>>, vector<16xf32>,
      %mul3A_212 = arith.constant 8 : i32
      %mul3A_213 = arith.muli %scan3A_201, %mul3A_212 : i32
      %add3A_214 = arith.constant 1 : i32
      %add3A_215 = arith.addi %mul3A_213, %add3A_214 : i32
      %mul3A_216 = arith.constant 16 : i32
      %mul3A_217 = arith.muli %add3A_215, %mul3A_216 : i32
      %swap3A_218 = arith.index_cast %mul3A_217 : i32 to index
      %swap3A_219 = tpu.vector_load %arg11[%swap3A_218] {strides = array<i32>} : memref<4096xf32, #tpu.memory_space<vmem>>, vector<16xf32>,
      %swap3A_220 = vector.shape_cast %swap3A_219 : vector<16xf32> to vector<16xf32>
      %swap3A_221 = vector.shape_cast %broadcast_in_dim3A_6 : vector<16xf32> to vector<16xf32>
      tpu.vector_store %arg11[%swap3A_218], %swap3A_221 {strides = array<i32>} : memref<4096xf32, #tpu.memory_space<vmem>>, vector<16xf32>,
      %mul3A_222 = arith.constant 8 : i32
      %mul3A_223 = arith.muli %scan3A_201, %mul3A_222 : i32
      %add3A_224 = arith.constant 2 : i32
      %add3A_225 = arith.addi %mul3A_223, %add3A_224 : i32
      %mul3A_226 = arith.constant 16 : i32
      %mul3A_227 = arith.muli %add3A_225, %mul3A_226 : i32
      %swap3A_228 = arith.index_cast %mul3A_227 : i32 to index
      %swap3A_229 = tpu.vector_load %arg11[%swap3A_228] {strides = array<i32>} : memref<4096xf32, #tpu.memory_space<vmem>>, vector<16xf32>,
      %swap3A_230 = vector.shape_cast %swap3A_229 : vector<16xf32> to vector<16xf32>
      %swap3A_231 = vector.shape_cast %broadcast_in_dim3A_6 : vector<16xf32> to vector<16xf32>
      tpu.vector_store %arg11[%swap3A_228], %swap3A_231 {strides = array<i32>} : memref<4096xf32, #tpu.memory_space<vmem>>, vector<16xf32>,
      %mul3A_232 = arith.constant 8 : i32
      %mul3A_233 = arith.muli %scan3A_201, %mul3A_232 : i32
      %add3A_234 = arith.constant 3 : i32
      %add3A_235 = arith.addi %mul3A_233, %add3A_234 : i32
      %mul3A_236 = arith.constant 16 : i32
      %mul3A_237 = arith.muli %add3A_235, %mul3A_236 : i32
      %swap3A_238 = arith.index_cast %mul3A_237 : i32 to index
      %swap3A_239 = tpu.vector_load %arg11[%swap3A_238] {strides = array<i32>} : memref<4096xf32, #tpu.memory_space<vmem>>, vector<16xf32>,
      %swap3A_240 = vector.shape_cast %swap3A_239 : vector<16xf32> to vector<16xf32>
      %swap3A_241 = vector.shape_cast %broadcast_in_dim3A_6 : vector<16xf32> to vector<16xf32>
      tpu.vector_store %arg11[%swap3A_238], %swap3A_241 {strides = array<i32>} : memref<4096xf32, #tpu.memory_space<vmem>>, vector<16xf32>,
      %mul3A_242 = arith.constant 8 : i32
      %mul3A_243 = arith.muli %scan3A_201, %mul3A_242 : i32
      %add3A_244 = arith.constant 4 : i32
      %add3A_245 = arith.addi %mul3A_243, %add3A_244 : i32
      %mul3A_246 = arith.constant 16 : i32
      %mul3A_247 = arith.muli %add3A_245, %mul3A_246 : i32
      %swap3A_248 = arith.index_cast %mul3A_247 : i32 to index
      %swap3A_249 = tpu.vector_load %arg11[%swap3A_248] {strides = array<i32>} : memref<4096xf32, #tpu.memory_space<vmem>>, vector<16xf32>,
      %swap3A_250 = vector.shape_cast %swap3A_249 : vector<16xf32> to vector<16xf32>
      %swap3A_251 = vector.shape_cast %broadcast_in_dim3A_6 : vector<16xf32> to vector<16xf32>
      tpu.vector_store %arg11[%swap3A_248], %swap3A_251 {strides = array<i32>} : memref<4096xf32, #tpu.memory_space<vmem>>, vector<16xf32>,
      %mul3A_252 = arith.constant 8 : i32
      %mul3A_253 = arith.muli %scan3A_201, %mul3A_252 : i32
      %add3A_254 = arith.constant 5 : i32
      %add3A_255 = arith.addi %mul3A_253, %add3A_254 : i32
      %mul3A_256 = arith.constant 16 : i32
      %mul3A_257 = arith.muli %add3A_255, %mul3A_256 : i32
      %swap3A_258 = arith.index_cast %mul3A_257 : i32 to index
      %swap3A_259 = tpu.vector_load %arg11[%swap3A_258] {strides = array<i32>} : memref<4096xf32, #tpu.memory_space<vmem>>, vector<16xf32>,
      %swap3A_260 = vector.shape_cast %swap3A_259 : vector<16xf32> to vector<16xf32>
      %swap3A_261 = vector.shape_cast %broadcast_in_dim3A_6 : vector<16xf32> to vector<16xf32>
      tpu.vector_store %arg11[%swap3A_258], %swap3A_261 {strides = array<i32>} : memref<4096xf32, #tpu.memory_space<vmem>>, vector<16xf32>,
      %mul3A_262 = arith.constant 8 : i32
      %mul3A_263 = arith.muli %scan3A_201, %mul3A_262 : i32
      %add3A_264 = arith.constant 6 : i32
      %add3A_265 = arith.addi %mul3A_263, %add3A_264 : i32
      %mul3A_266 = arith.constant 16 : i32
      %mul3A_267 = arith.muli %add3A_265, %mul3A_266 : i32
      %swap3A_268 = arith.index_cast %mul3A_267 : i32 to index
      %swap3A_269 = tpu.vector_load %arg11[%swap3A_268] {strides = array<i32>} : memref<4096xf32, #tpu.memory_space<vmem>>, vector<16xf32>,
      %swap3A_270 = vector.shape_cast %swap3A_269 : vector<16xf32> to vector<16xf32>
      %swap3A_271 = vector.shape_cast %broadcast_in_dim3A_6 : vector<16xf32> to vector<16xf32>
      tpu.vector_store %arg11[%swap3A_268], %swap3A_271 {strides = array<i32>} : memref<4096xf32, #tpu.memory_space<vmem>>, vector<16xf32>,
      %mul3A_272 = arith.constant 8 : i32
      %mul3A_273 = arith.muli %scan3A_201, %mul3A_272 : i32
      %add3A_274 = arith.constant 7 : i32
      %add3A_275 = arith.addi %mul3A_273, %add3A_274 : i32
      %mul3A_276 = arith.constant 16 : i32
      %mul3A_277 = arith.muli %add3A_275, %mul3A_276 : i32
      %swap3A_278 = arith.index_cast %mul3A_277 : i32 to index
      %swap3A_279 = tpu.vector_load %arg11[%swap3A_278] {strides = array<i32>} : memref<4096xf32, #tpu.memory_space<vmem>>, vector<16xf32>,
      %swap3A_280 = vector.shape_cast %swap3A_279 : vector<16xf32> to vector<16xf32>
      %swap3A_281 = vector.shape_cast %broadcast_in_dim3A_6 : vector<16xf32> to vector<16xf32>
      tpu.vector_store %arg11[%swap3A_278], %swap3A_281 {strides = array<i32>} : memref<4096xf32, #tpu.memory_space<vmem>>, vector<16xf32>,
    }
    %scan3A_11 = arith.constant 32 : i32
    %mul3A_12 = arith.constant 4096 : i32
    %mul3A_13 = arith.muli %arg1, %mul3A_12 : i32
    %dma_start3A_14 = tpu.memref_slice %arg12[%mul3A_13] : memref<65536xf32, #tpu.memory_space<vmem_shared>> -> memref<4096xf32, #tpu.memory_space<vmem_shared>>
    %dma_start3A_15 = tpu.memref_slice %arg12[%mul3A_13] : memref<65536xf32, #tpu.memory_space<vmem_shared>> -> memref<4096xf32, #tpu.memory_space<vmem_shared>>
    tpu.enqueue_dma source(%arg11 : memref<4096xf32, #tpu.memory_space<vmem>>) target(%dma_start3A_15 : memref<4096xf32, #tpu.memory_space<vmem_shared>>) target_semaphore(%arg14 : memref<!tpu.dma_semaphore, #tpu.memory_space<semaphore_mem>>)
    %dma_wait3A = tpu.memref_slice %arg3[%mul3A_0] : memref<2048xi32, #tpu.memory_space<hbm>> -> memref<128xi32, #tpu.memory_space<hbm>>
    %dma_wait3A_16 = tpu.memref_slice %arg3[%mul3A_0] : memref<2048xi32, #tpu.memory_space<hbm>> -> memref<128xi32, #tpu.memory_space<hbm>>
    tpu.wait_dma2 semaphore(%arg13 : memref<!tpu.dma_semaphore, #tpu.memory_space<semaphore_mem>>) src(%dma_wait3A_16 : memref<128xi32, #tpu.memory_space<hbm>>) dst(%arg6 : memref<128xi32, #tpu.memory_space<vmem>>)
    %dma_wait3A_17 = tpu.memref_slice %arg4[%mul3A_0] : memref<2048xi32, #tpu.memory_space<hbm>> -> memref<128xi32, #tpu.memory_space<hbm>>
    %dma_wait3A_18 = tpu.memref_slice %arg4[%mul3A_0] : memref<2048xi32, #tpu.memory_space<hbm>> -> memref<128xi32, #tpu.memory_space<hbm>>
    tpu.wait_dma2 semaphore(%arg13 : memref<!tpu.dma_semaphore, #tpu.memory_space<semaphore_mem>>) src(%dma_wait3A_18 : memref<128xi32, #tpu.memory_space<hbm>>) dst(%arg7 : memref<128xi32, #tpu.memory_space<vmem>>)
    %dma_wait3A_19 = tpu.memref_slice %arg2[%mul3A_0] : memref<2048xf32, #tpu.memory_space<hbm>> -> memref<128xf32, #tpu.memory_space<hbm>>
    %dma_wait3A_20 = tpu.memref_slice %arg2[%mul3A_0] : memref<2048xf32, #tpu.memory_space<hbm>> -> memref<128xf32, #tpu.memory_space<hbm>>
    tpu.wait_dma2 semaphore(%arg13 : memref<!tpu.dma_semaphore, #tpu.memory_space<semaphore_mem>>) src(%dma_wait3A_20 : memref<128xf32, #tpu.memory_space<hbm>>) dst(%arg8 : memref<128xf32, #tpu.memory_space<vmem>>)
    %get3A = arith.constant 0 : index
    %get3A_21 = tpu.vector_load %arg6[%get3A] {strides = array<i32>} : memref<128xi32, #tpu.memory_space<vmem>>, vector<16xi32>,
    %get3A_22 = vector.shape_cast %get3A_21 : vector<16xi32> to vector<16xi32>
    %mul3A_23 = arith.constant 128 : i32
    %mul3A_24 = vector.broadcast %mul3A_23 : i32 to vector<16xi32>
    %mul3A_25 = arith.muli %get3A_22, %mul3A_24 : vector<16xi32>
    %get3A_26 = arith.constant 0 : index
    %get3A_27 = tpu.vector_load %arg7[%get3A_26] {strides = array<i32>} : memref<128xi32, #tpu.memory_space<vmem>>, vector<16xi32>,
    %get3A_28 = vector.shape_cast %get3A_27 : vector<16xi32> to vector<16xi32>
    %add3A = arith.addi %mul3A_25, %get3A_28 : vector<16xi32>
    %swap3A = arith.constant 0 : index
    %swap3A_29 = tpu.vector_load %arg9[%swap3A] {strides = array<i32>} : memref<128xi32, #tpu.memory_space<vmem>>, vector<16xi32>,
    %swap3A_30 = vector.shape_cast %swap3A_29 : vector<16xi32> to vector<16xi32>
    %swap3A_31 = vector.shape_cast %add3A : vector<16xi32> to vector<16xi32>
    tpu.vector_store %arg9[%swap3A], %swap3A_31 {strides = array<i32>} : memref<128xi32, #tpu.memory_space<vmem>>, vector<16xi32>,
    %get3A_32 = arith.constant 0 : index
    %get3A_33 = tpu.vector_load %arg8[%get3A_32] {strides = array<i32>} : memref<128xf32, #tpu.memory_space<vmem>>, vector<16xf32>,
    %get3A_34 = vector.shape_cast %get3A_33 : vector<16xf32> to vector<16xf32>
    %exp3A = math.exp %get3A_34 : vector<16xf32>
    %swap3A_35 = arith.constant 0 : index
    %swap3A_36 = tpu.vector_load %arg10[%swap3A_35] {strides = array<i32>} : memref<128xf32, #tpu.memory_space<vmem>>, vector<16xf32>,
    %swap3A_37 = vector.shape_cast %swap3A_36 : vector<16xf32> to vector<16xf32>
    %swap3A_38 = vector.shape_cast %exp3A : vector<16xf32> to vector<16xf32>
    tpu.vector_store %arg10[%swap3A_35], %swap3A_38 {strides = array<i32>} : memref<128xf32, #tpu.memory_space<vmem>>, vector<16xf32>,
    %get3A_39 = arith.constant 16 : index
    %get3A_40 = tpu.vector_load %arg6[%get3A_39] {strides = array<i32>} : memref<128xi32, #tpu.memory_space<vmem>>, vector<16xi32>,
    %get3A_41 = vector.shape_cast %get3A_40 : vector<16xi32> to vector<16xi32>
    %mul3A_42 = arith.constant 128 : i32
    %mul3A_43 = vector.broadcast %mul3A_42 : i32 to vector<16xi32>
    %mul3A_44 = arith.muli %get3A_41, %mul3A_43 : vector<16xi32>
    %get3A_45 = arith.constant 16 : index
    %get3A_46 = tpu.vector_load %arg7[%get3A_45] {strides = array<i32>} : memref<128xi32, #tpu.memory_space<vmem>>, vector<16xi32>,
    %get3A_47 = vector.shape_cast %get3A_46 : vector<16xi32> to vector<16xi32>
    %add3A_48 = arith.addi %mul3A_44, %get3A_47 : vector<16xi32>
    %swap3A_49 = arith.constant 16 : index
    %swap3A_50 = tpu.vector_load %arg9[%swap3A_49] {strides = array<i32>} : memref<128xi32, #tpu.memory_space<vmem>>, vector<16xi32>,
    %swap3A_51 = vector.shape_cast %swap3A_50 : vector<16xi32> to vector<16xi32>
    %swap3A_52 = vector.shape_cast %add3A_48 : vector<16xi32> to vector<16xi32>
    tpu.vector_store %arg9[%swap3A_49], %swap3A_52 {strides = array<i32>} : memref<128xi32, #tpu.memory_space<vmem>>, vector<16xi32>,
    %get3A_53 = arith.constant 16 : index
    %get3A_54 = tpu.vector_load %arg8[%get3A_53] {strides = array<i32>} : memref<128xf32, #tpu.memory_space<vmem>>, vector<16xf32>,
    %get3A_55 = vector.shape_cast %get3A_54 : vector<16xf32> to vector<16xf32>
    %exp3A_56 = math.exp %get3A_55 : vector<16xf32>
    %swap3A_57 = arith.constant 16 : index
    %swap3A_58 = tpu.vector_load %arg10[%swap3A_57] {strides = array<i32>} : memref<128xf32, #tpu.memory_space<vmem>>, vector<16xf32>,
    %swap3A_59 = vector.shape_cast %swap3A_58 : vector<16xf32> to vector<16xf32>
    %swap3A_60 = vector.shape_cast %exp3A_56 : vector<16xf32> to vector<16xf32>
    tpu.vector_store %arg10[%swap3A_57], %swap3A_60 {strides = array<i32>} : memref<128xf32, #tpu.memory_space<vmem>>, vector<16xf32>,
    %get3A_61 = arith.constant 32 : index
    %get3A_62 = tpu.vector_load %arg6[%get3A_61] {strides = array<i32>} : memref<128xi32, #tpu.memory_space<vmem>>, vector<16xi32>,
    %get3A_63 = vector.shape_cast %get3A_62 : vector<16xi32> to vector<16xi32>
    %mul3A_64 = arith.constant 128 : i32
    %mul3A_65 = vector.broadcast %mul3A_64 : i32 to vector<16xi32>
    %mul3A_66 = arith.muli %get3A_63, %mul3A_65 : vector<16xi32>
    %get3A_67 = arith.constant 32 : index
    %get3A_68 = tpu.vector_load %arg7[%get3A_67] {strides = array<i32>} : memref<128xi32, #tpu.memory_space<vmem>>, vector<16xi32>,
    %get3A_69 = vector.shape_cast %get3A_68 : vector<16xi32> to vector<16xi32>
    %add3A_70 = arith.addi %mul3A_66, %get3A_69 : vector<16xi32>
    %swap3A_71 = arith.constant 32 : index
    %swap3A_72 = tpu.vector_load %arg9[%swap3A_71] {strides = array<i32>} : memref<128xi32, #tpu.memory_space<vmem>>, vector<16xi32>,
    %swap3A_73 = vector.shape_cast %swap3A_72 : vector<16xi32> to vector<16xi32>
    %swap3A_74 = vector.shape_cast %add3A_70 : vector<16xi32> to vector<16xi32>
    tpu.vector_store %arg9[%swap3A_71], %swap3A_74 {strides = array<i32>} : memref<128xi32, #tpu.memory_space<vmem>>, vector<16xi32>,
    %get3A_75 = arith.constant 32 : index
    %get3A_76 = tpu.vector_load %arg8[%get3A_75] {strides = array<i32>} : memref<128xf32, #tpu.memory_space<vmem>>, vector<16xf32>,
    %get3A_77 = vector.shape_cast %get3A_76 : vector<16xf32> to vector<16xf32>
    %exp3A_78 = math.exp %get3A_77 : vector<16xf32>
    %swap3A_79 = arith.constant 32 : index
    %swap3A_80 = tpu.vector_load %arg10[%swap3A_79] {strides = array<i32>} : memref<128xf32, #tpu.memory_space<vmem>>, vector<16xf32>,
    %swap3A_81 = vector.shape_cast %swap3A_80 : vector<16xf32> to vector<16xf32>
    %swap3A_82 = vector.shape_cast %exp3A_78 : vector<16xf32> to vector<16xf32>
    tpu.vector_store %arg10[%swap3A_79], %swap3A_82 {strides = array<i32>} : memref<128xf32, #tpu.memory_space<vmem>>, vector<16xf32>,
    %get3A_83 = arith.constant 48 : index
    %get3A_84 = tpu.vector_load %arg6[%get3A_83] {strides = array<i32>} : memref<128xi32, #tpu.memory_space<vmem>>, vector<16xi32>,
    %get3A_85 = vector.shape_cast %get3A_84 : vector<16xi32> to vector<16xi32>
    %mul3A_86 = arith.constant 128 : i32
    %mul3A_87 = vector.broadcast %mul3A_86 : i32 to vector<16xi32>
    %mul3A_88 = arith.muli %get3A_85, %mul3A_87 : vector<16xi32>
    %get3A_89 = arith.constant 48 : index
    %get3A_90 = tpu.vector_load %arg7[%get3A_89] {strides = array<i32>} : memref<128xi32, #tpu.memory_space<vmem>>, vector<16xi32>,
    %get3A_91 = vector.shape_cast %get3A_90 : vector<16xi32> to vector<16xi32>
    %add3A_92 = arith.addi %mul3A_88, %get3A_91 : vector<16xi32>
    %swap3A_93 = arith.constant 48 : index
    %swap3A_94 = tpu.vector_load %arg9[%swap3A_93] {strides = array<i32>} : memref<128xi32, #tpu.memory_space<vmem>>, vector<16xi32>,
    %swap3A_95 = vector.shape_cast %swap3A_94 : vector<16xi32> to vector<16xi32>
    %swap3A_96 = vector.shape_cast %add3A_92 : vector<16xi32> to vector<16xi32>
    tpu.vector_store %arg9[%swap3A_93], %swap3A_96 {strides = array<i32>} : memref<128xi32, #tpu.memory_space<vmem>>, vector<16xi32>,
    %get3A_97 = arith.constant 48 : index
    %get3A_98 = tpu.vector_load %arg8[%get3A_97] {strides = array<i32>} : memref<128xf32, #tpu.memory_space<vmem>>, vector<16xf32>,
    %get3A_99 = vector.shape_cast %get3A_98 : vector<16xf32> to vector<16xf32>
    %exp3A_100 = math.exp %get3A_99 : vector<16xf32>
    %swap3A_101 = arith.constant 48 : index
    %swap3A_102 = tpu.vector_load %arg10[%swap3A_101] {strides = array<i32>} : memref<128xf32, #tpu.memory_space<vmem>>, vector<16xf32>,
    %swap3A_103 = vector.shape_cast %swap3A_102 : vector<16xf32> to vector<16xf32>
    %swap3A_104 = vector.shape_cast %exp3A_100 : vector<16xf32> to vector<16xf32>
    tpu.vector_store %arg10[%swap3A_101], %swap3A_104 {strides = array<i32>} : memref<128xf32, #tpu.memory_space<vmem>>, vector<16xf32>,
    %get3A_105 = arith.constant 64 : index
    %get3A_106 = tpu.vector_load %arg6[%get3A_105] {strides = array<i32>} : memref<128xi32, #tpu.memory_space<vmem>>, vector<16xi32>,
    %get3A_107 = vector.shape_cast %get3A_106 : vector<16xi32> to vector<16xi32>
    %mul3A_108 = arith.constant 128 : i32
    %mul3A_109 = vector.broadcast %mul3A_108 : i32 to vector<16xi32>
    %mul3A_110 = arith.muli %get3A_107, %mul3A_109 : vector<16xi32>
    %get3A_111 = arith.constant 64 : index
    %get3A_112 = tpu.vector_load %arg7[%get3A_111] {strides = array<i32>} : memref<128xi32, #tpu.memory_space<vmem>>, vector<16xi32>,
    %get3A_113 = vector.shape_cast %get3A_112 : vector<16xi32> to vector<16xi32>
    %add3A_114 = arith.addi %mul3A_110, %get3A_113 : vector<16xi32>
    %swap3A_115 = arith.constant 64 : index
    %swap3A_116 = tpu.vector_load %arg9[%swap3A_115] {strides = array<i32>} : memref<128xi32, #tpu.memory_space<vmem>>, vector<16xi32>,
    %swap3A_117 = vector.shape_cast %swap3A_116 : vector<16xi32> to vector<16xi32>
    %swap3A_118 = vector.shape_cast %add3A_114 : vector<16xi32> to vector<16xi32>
    tpu.vector_store %arg9[%swap3A_115], %swap3A_118 {strides = array<i32>} : memref<128xi32, #tpu.memory_space<vmem>>, vector<16xi32>,
    %get3A_119 = arith.constant 64 : index
    %get3A_120 = tpu.vector_load %arg8[%get3A_119] {strides = array<i32>} : memref<128xf32, #tpu.memory_space<vmem>>, vector<16xf32>,
    %get3A_121 = vector.shape_cast %get3A_120 : vector<16xf32> to vector<16xf32>
    %exp3A_122 = math.exp %get3A_121 : vector<16xf32>
    %swap3A_123 = arith.constant 64 : index
    %swap3A_124 = tpu.vector_load %arg10[%swap3A_123] {strides = array<i32>} : memref<128xf32, #tpu.memory_space<vmem>>, vector<16xf32>,
    %swap3A_125 = vector.shape_cast %swap3A_124 : vector<16xf32> to vector<16xf32>
    %swap3A_126 = vector.shape_cast %exp3A_122 : vector<16xf32> to vector<16xf32>
    tpu.vector_store %arg10[%swap3A_123], %swap3A_126 {strides = array<i32>} : memref<128xf32, #tpu.memory_space<vmem>>, vector<16xf32>,
    %get3A_127 = arith.constant 80 : index
    %get3A_128 = tpu.vector_load %arg6[%get3A_127] {strides = array<i32>} : memref<128xi32, #tpu.memory_space<vmem>>, vector<16xi32>,
    %get3A_129 = vector.shape_cast %get3A_128 : vector<16xi32> to vector<16xi32>
    %mul3A_130 = arith.constant 128 : i32
    %mul3A_131 = vector.broadcast %mul3A_130 : i32 to vector<16xi32>
    %mul3A_132 = arith.muli %get3A_129, %mul3A_131 : vector<16xi32>
    %get3A_133 = arith.constant 80 : index
    %get3A_134 = tpu.vector_load %arg7[%get3A_133] {strides = array<i32>} : memref<128xi32, #tpu.memory_space<vmem>>, vector<16xi32>,
    %get3A_135 = vector.shape_cast %get3A_134 : vector<16xi32> to vector<16xi32>
    %add3A_136 = arith.addi %mul3A_132, %get3A_135 : vector<16xi32>
    %swap3A_137 = arith.constant 80 : index
    %swap3A_138 = tpu.vector_load %arg9[%swap3A_137] {strides = array<i32>} : memref<128xi32, #tpu.memory_space<vmem>>, vector<16xi32>,
    %swap3A_139 = vector.shape_cast %swap3A_138 : vector<16xi32> to vector<16xi32>
    %swap3A_140 = vector.shape_cast %add3A_136 : vector<16xi32> to vector<16xi32>
    tpu.vector_store %arg9[%swap3A_137], %swap3A_140 {strides = array<i32>} : memref<128xi32, #tpu.memory_space<vmem>>, vector<16xi32>,
    %get3A_141 = arith.constant 80 : index
    %get3A_142 = tpu.vector_load %arg8[%get3A_141] {strides = array<i32>} : memref<128xf32, #tpu.memory_space<vmem>>, vector<16xf32>,
    %get3A_143 = vector.shape_cast %get3A_142 : vector<16xf32> to vector<16xf32>
    %exp3A_144 = math.exp %get3A_143 : vector<16xf32>
    %swap3A_145 = arith.constant 80 : index
    %swap3A_146 = tpu.vector_load %arg10[%swap3A_145] {strides = array<i32>} : memref<128xf32, #tpu.memory_space<vmem>>, vector<16xf32>,
    %swap3A_147 = vector.shape_cast %swap3A_146 : vector<16xf32> to vector<16xf32>
    %swap3A_148 = vector.shape_cast %exp3A_144 : vector<16xf32> to vector<16xf32>
    tpu.vector_store %arg10[%swap3A_145], %swap3A_148 {strides = array<i32>} : memref<128xf32, #tpu.memory_space<vmem>>, vector<16xf32>,
    %get3A_149 = arith.constant 96 : index
    %get3A_150 = tpu.vector_load %arg6[%get3A_149] {strides = array<i32>} : memref<128xi32, #tpu.memory_space<vmem>>, vector<16xi32>,
    %get3A_151 = vector.shape_cast %get3A_150 : vector<16xi32> to vector<16xi32>
    %mul3A_152 = arith.constant 128 : i32
    %mul3A_153 = vector.broadcast %mul3A_152 : i32 to vector<16xi32>
    %mul3A_154 = arith.muli %get3A_151, %mul3A_153 : vector<16xi32>
    %get3A_155 = arith.constant 96 : index
    %get3A_156 = tpu.vector_load %arg7[%get3A_155] {strides = array<i32>} : memref<128xi32, #tpu.memory_space<vmem>>, vector<16xi32>,
    %get3A_157 = vector.shape_cast %get3A_156 : vector<16xi32> to vector<16xi32>
    %add3A_158 = arith.addi %mul3A_154, %get3A_157 : vector<16xi32>
    %swap3A_159 = arith.constant 96 : index
    %swap3A_160 = tpu.vector_load %arg9[%swap3A_159] {strides = array<i32>} : memref<128xi32, #tpu.memory_space<vmem>>, vector<16xi32>,
    %swap3A_161 = vector.shape_cast %swap3A_160 : vector<16xi32> to vector<16xi32>
    %swap3A_162 = vector.shape_cast %add3A_158 : vector<16xi32> to vector<16xi32>
    tpu.vector_store %arg9[%swap3A_159], %swap3A_162 {strides = array<i32>} : memref<128xi32, #tpu.memory_space<vmem>>, vector<16xi32>,
    %get3A_163 = arith.constant 96 : index
    %get3A_164 = tpu.vector_load %arg8[%get3A_163] {strides = array<i32>} : memref<128xf32, #tpu.memory_space<vmem>>, vector<16xf32>,
    %get3A_165 = vector.shape_cast %get3A_164 : vector<16xf32> to vector<16xf32>
    %exp3A_166 = math.exp %get3A_165 : vector<16xf32>
    %swap3A_167 = arith.constant 96 : index
    %swap3A_168 = tpu.vector_load %arg10[%swap3A_167] {strides = array<i32>} : memref<128xf32, #tpu.memory_space<vmem>>, vector<16xf32>,
    %swap3A_169 = vector.shape_cast %swap3A_168 : vector<16xf32> to vector<16xf32>
    %swap3A_170 = vector.shape_cast %exp3A_166 : vector<16xf32> to vector<16xf32>
    tpu.vector_store %arg10[%swap3A_167], %swap3A_170 {strides = array<i32>} : memref<128xf32, #tpu.memory_space<vmem>>, vector<16xf32>,
    %get3A_171 = arith.constant 112 : index
    %get3A_172 = tpu.vector_load %arg6[%get3A_171] {strides = array<i32>} : memref<128xi32, #tpu.memory_space<vmem>>, vector<16xi32>,
    %get3A_173 = vector.shape_cast %get3A_172 : vector<16xi32> to vector<16xi32>
    %mul3A_174 = arith.constant 128 : i32
    %mul3A_175 = vector.broadcast %mul3A_174 : i32 to vector<16xi32>
    %mul3A_176 = arith.muli %get3A_173, %mul3A_175 : vector<16xi32>
    %get3A_177 = arith.constant 112 : index
    %get3A_178 = tpu.vector_load %arg7[%get3A_177] {strides = array<i32>} : memref<128xi32, #tpu.memory_space<vmem>>, vector<16xi32>,
    %get3A_179 = vector.shape_cast %get3A_178 : vector<16xi32> to vector<16xi32>
    %add3A_180 = arith.addi %mul3A_176, %get3A_179 : vector<16xi32>
    %swap3A_181 = arith.constant 112 : index
    %swap3A_182 = tpu.vector_load %arg9[%swap3A_181] {strides = array<i32>} : memref<128xi32, #tpu.memory_space<vmem>>, vector<16xi32>,
    %swap3A_183 = vector.shape_cast %swap3A_182 : vector<16xi32> to vector<16xi32>
    %swap3A_184 = vector.shape_cast %add3A_180 : vector<16xi32> to vector<16xi32>
    tpu.vector_store %arg9[%swap3A_181], %swap3A_184 {strides = array<i32>} : memref<128xi32, #tpu.memory_space<vmem>>, vector<16xi32>,
    %get3A_185 = arith.constant 112 : index
    %get3A_186 = tpu.vector_load %arg8[%get3A_185] {strides = array<i32>} : memref<128xf32, #tpu.memory_space<vmem>>, vector<16xf32>,
    %get3A_187 = vector.shape_cast %get3A_186 : vector<16xf32> to vector<16xf32>
    %exp3A_188 = math.exp %get3A_187 : vector<16xf32>
    %swap3A_189 = arith.constant 112 : index
    %swap3A_190 = tpu.vector_load %arg10[%swap3A_189] {strides = array<i32>} : memref<128xf32, #tpu.memory_space<vmem>>, vector<16xf32>,
    %swap3A_191 = vector.shape_cast %swap3A_190 : vector<16xf32> to vector<16xf32>
    %swap3A_192 = vector.shape_cast %exp3A_188 : vector<16xf32> to vector<16xf32>
    tpu.vector_store %arg10[%swap3A_189], %swap3A_192 {strides = array<i32>} : memref<128xf32, #tpu.memory_space<vmem>>, vector<16xf32>,
    %dma_wait3A_193 = tpu.memref_slice %arg12[%mul3A_13] : memref<65536xf32, #tpu.memory_space<vmem_shared>> -> memref<4096xf32, #tpu.memory_space<vmem_shared>>
    %dma_wait3A_194 = tpu.memref_slice %arg12[%mul3A_13] : memref<65536xf32, #tpu.memory_space<vmem_shared>> -> memref<4096xf32, #tpu.memory_space<vmem_shared>>
    tpu.wait_dma2 semaphore(%arg14 : memref<!tpu.dma_semaphore, #tpu.memory_space<semaphore_mem>>) src(%arg11 : memref<4096xf32, #tpu.memory_space<vmem>>) dst(%dma_wait3A_194 : memref<4096xf32, #tpu.memory_space<vmem_shared>>)
    %barrier3A = arith.constant 0 : index
    tpu.barrier barrier_id(%barrier3A)
    "tpu.region"() ({
      %run_scoped3A = tpu.sem_alloc : memref<!tpu.dma_semaphore, #tpu.memory_space<semaphore_mem>>
      %dma_start3A_201 = arith.constant 0 : i32
      %dma_start3A_202 = tpu.memref_slice %arg12[%dma_start3A_201] : memref<65536xf32, #tpu.memory_space<vmem_shared>> -> memref<65536xf32, #tpu.memory_space<vmem_shared>>
      tpu.enqueue_indirect_dma source(%arg10 : memref<128xf32, #tpu.memory_space<vmem>>) target(%dma_start3A_202 : memref<65536xf32, #tpu.memory_space<vmem_shared>>) offsets(%arg9 : memref<128xi32, #tpu.memory_space<vmem>>) semaphore(%run_scoped3A : memref<!tpu.dma_semaphore, #tpu.memory_space<semaphore_mem>>) {add = true}
      %dma_wait3A_203 = arith.constant 0 : i32
      %dma_wait3A_204 = tpu.memref_slice %arg12[%dma_wait3A_203] : memref<65536xf32, #tpu.memory_space<vmem_shared>> -> memref<65536xf32, #tpu.memory_space<vmem_shared>>
      tpu.wait_indirect_dma semaphore(%run_scoped3A : memref<!tpu.dma_semaphore, #tpu.memory_space<semaphore_mem>>) src(%arg10 : memref<128xf32, #tpu.memory_space<vmem>>) dst(%dma_wait3A_204 : memref<65536xf32, #tpu.memory_space<vmem_shared>>)
      tpu.yield
    }) : () -> ()
    %barrier3A_195 = arith.constant 0 : index
    tpu.barrier barrier_id(%barrier3A_195)
    %mul3A_196 = arith.constant 32768 : i32
    %mul3A_197 = arith.muli %arg0, %mul3A_196 : i32
    %mul3A_198 = arith.constant 2048 : i32
    %mul3A_199 = arith.muli %arg1, %mul3A_198 : i32
    %add3A_200 = arith.addi %mul3A_197, %mul3A_199 : i32
    "tpu.region"() ({
      %run_scoped3A = tpu.sem_alloc : memref<!tpu.dma_semaphore, #tpu.memory_space<semaphore_mem>>
      %dma_start3A_201 = tpu.memref_slice %arg5[%add3A_200] : memref<65536xf32, #tpu.memory_space<hbm>> -> memref<2048xf32, #tpu.memory_space<hbm>>
      %dma_start3A_202 = tpu.memref_slice %arg12[%add3A_200] : memref<65536xf32, #tpu.memory_space<vmem_shared>> -> memref<2048xf32, #tpu.memory_space<vmem_shared>>
      tpu.enqueue_dma source(%dma_start3A_202 : memref<2048xf32, #tpu.memory_space<vmem_shared>>) target(%dma_start3A_201 : memref<2048xf32, #tpu.memory_space<hbm>>) target_semaphore(%run_scoped3A : memref<!tpu.dma_semaphore, #tpu.memory_space<semaphore_mem>>)
      %dma_wait3A_203 = tpu.memref_slice %arg5[%add3A_200] : memref<65536xf32, #tpu.memory_space<hbm>> -> memref<2048xf32, #tpu.memory_space<hbm>>
      %dma_wait3A_204 = tpu.memref_slice %arg12[%add3A_200] : memref<65536xf32, #tpu.memory_space<vmem_shared>> -> memref<2048xf32, #tpu.memory_space<vmem_shared>>
      tpu.wait_dma2 semaphore(%run_scoped3A : memref<!tpu.dma_semaphore, #tpu.memory_space<semaphore_mem>>) src(%dma_wait3A_204 : memref<2048xf32, #tpu.memory_space<vmem_shared>>) dst(%dma_wait3A_203 : memref<2048xf32, #tpu.memory_space<hbm>>)
      tpu.yield
    }) : () -> ()
    return
  }
}

module attributes {stable_mosaic.version = 14 : i64} {
  func.func @_allo_tc_body(%arg0: i32, %arg1: memref<4096x512xf32, #tpu.memory_space<vmem>>, %arg2: memref<512x128xf32, #tpu.memory_space<vmem>>, %arg3: memref<4096x128xf32, #tpu.memory_space<vmem>>) attributes {dimension_semantics = [#tpu.dimension_semantics<arbitrary>], iteration_bounds = array<i64: 4>, scalar_prefetch = 0 : i64, scratch_operands = 0 : i64, tpu.core_type = #tpu.core_type<tc>, window_params = [{transform_indices = @transform_0, window_bounds = array<i64: 4096, 512>}, {pipeline_mode = #tpu.pipeline_mode<synchronous>, transform_indices = @transform_1, window_bounds = array<i64: 512, 128>}, {transform_indices = @transform_2, window_bounds = array<i64: 4096, 128>}]} {
    %get3A = arith.constant 0 : index
    %get3A_0 = arith.constant 0 : index
    %get3A_1 = vector.load %arg1[%get3A, %get3A_0] : memref<4096x512xf32, #tpu.memory_space<vmem>>, vector<4096x512xf32>
    %exp3A = math.exp %get3A_1 : vector<4096x512xf32>
    %reduce_sum3A = arith.constant dense<0.000000e+00> : vector<4096xf32>
    %reduce_sum3A_2 = vector.multi_reduction <add>, %exp3A, %reduce_sum3A [1] : vector<4096x512xf32> to vector<4096xf32>
    %broadcast_in_dim3A = vector.shape_cast %reduce_sum3A_2 : vector<4096xf32> to vector<4096x1xf32>
    %get3A_3 = arith.constant 0 : index
    %get3A_4 = arith.constant 0 : index
    %get3A_5 = vector.load %arg2[%get3A_3, %get3A_4] : memref<512x128xf32, #tpu.memory_space<vmem>>, vector<512x128xf32>
    %dot_general3A = arith.constant dense<0.000000e+00> : vector<4096x128xf32>
    %dot_general3A_6 = tpu.matmul %exp3A, %get3A_5, %dot_general3A {dimension_numbers = #tpu.dot_dimension_numbers<[1], [0], [0], [1], [0, 0, 1, 1], [], []>, transpose_lhs_hint = false} : vector<4096x512xf32>, vector<512x128xf32>, vector<4096x128xf32> -> vector<4096x128xf32>
    %div3A = vector.broadcast %broadcast_in_dim3A : vector<4096x1xf32> to vector<4096x128xf32>
    %div3A_7 = arith.divf %dot_general3A_6, %div3A : vector<4096x128xf32>
    %log3A = math.log %div3A_7 : vector<4096x128xf32>
    %swap3A = arith.constant 0 : index
    %swap3A_8 = arith.constant 0 : index
    %swap3A_9 = vector.load %arg3[%swap3A, %swap3A_8] : memref<4096x128xf32, #tpu.memory_space<vmem>>, vector<4096x128xf32>
    tpu.vector_store %arg3[%swap3A, %swap3A_8], %log3A {strides = array<i32>} : memref<4096x128xf32, #tpu.memory_space<vmem>>, vector<4096x128xf32>,
    return
  }
  func.func @transform_0(%arg0: i32) -> (i32, i32) {
    %c0_i32 = arith.constant 0 : i32
    %c0_i32_0 = arith.constant 0 : i32
    return %arg0, %c0_i32 : i32, i32
  }
  func.func @transform_1(%arg0: i32) -> (i32, i32) {
    %c0_i32 = arith.constant 0 : i32
    %c0_i32_0 = arith.constant 0 : i32
    %c0_i32_1 = arith.constant 0 : i32
    return %c0_i32, %c0_i32_0 : i32, i32
  }
  func.func @transform_2(%arg0: i32) -> (i32, i32) {
    %c0_i32 = arith.constant 0 : i32
    %c0_i32_0 = arith.constant 0 : i32
    return %arg0, %c0_i32 : i32, i32
  }
}

</mosaic_0001>

<sc_bundles>
// kernel: kernel.4.cloned.1.call-start
scs
__scs_entry_jumppad:
0x0: {  	(pc) =	sbr.rel $0x88, $3  }
0x1: {  	(tag) =	ssettag $0x0;
	lr =	simm.s32 $0x1  }
0x2: {  	[smem:$0x3F9D] =	sst lr;
	_ =	strace $0xD0000000  }
0x3: {  	_ = 	snop  }
0x4: {  	_ = 	snop  }
0x5: {  	_ = 	snop  }
0x6: {  	_ = 	snop  }
0x7: {  	_ = 	snop  }
__scs_overlays_trampoline_lowered:
0x8: {  	[smem:$0x3FAC] =	sst s0  }
0x9: {  	[smem:$0x3FAD] =	sst s1  }
0xa: {  	[smem:$0x3FAE] =	sst s2  }
0xb: {  	[smem:$0x3FAF] =	sst s3  }
0xc: {  	[smem:$0x3FB0] =	sst s4  }
0xd: {  	[smem:$0x3FB1] =	sst s5  }
0xe: {  	[smem:$0x3FB2] =	sst s6  }
0xf: {  	[smem:$0x3FB3] =	sst s7  }
0x10: {  	[smem:$0x3FB4] =	sst s8  }
0x11: {  	[smem:$0x3FB5] =	sst s9;
	s0 =	simm.s32 @!p0 $0x0  }
0x12: {  	s1 =	sld [smem:$0x3F9B];
	s0 =	simm.s32 @p0 $0x1  }
0x13: {  	[smem:$0x3FB6] =	sst s0;
	s0 =	simm.s32 @!p1 $0x0  }
0x14: {  	s2 =	sld [smem:$0x3F9A];
	s0 =	simm.s32 @p1 $0x1  }
0x15: {  	[smem:$0x3FB7] =	sst s0;
	s0 =	simm.s32 @!p2 $0x0  }
0x16: {  	s3 =	sld [smem:$0x3FDB];
	s0 =	simm.s32 @p2 $0x1  }
0x17: {  	s4 =	simm.s32 $0x1BF5;
	[smem:$0x3FB9] =	sst s0  }
0x18: {  	s0 =	sld [smem:$0x3F9C];
	_ =	swait.ge [sflag:s4], $0x0  }
0x19: {  	s7 =	sld [smem:$0x3F9D]  }
0x1a: {  	s8 =	sadd.s32 $0xFFFFE003, lr  }
0x1b: {  	s9 =	sadd.s32 $0xFFFFFEF7, lr;
	s5 =	simm.s32 $0xFFFFFFFF;
	p2 =	slt.u32 s8, $0xFFFFF086  }
0x1c: {  	p1 =	slt.u32 s9, $0xF7A;
	s5 =	simm.s32 @!p2 $0x0  }
0x1d: {  	s5 =	simm.s32 @p1 $0x1;
	p0 =	seq.s32 s7, s2  }
0x1e: {  	s7 =	smul.u32 @!p0 $0xF7A, s2;
	p2 =	seq.s32 @!p0 s5, $0x0  }
0x1f: {  	s9 =	smul.u32 $0xF7A, s1;
	s8 =	simm.s32 @!p0 $0x1BF5;
	p2 =	por !p2, p0  }
0x20: {  	[sflag:s8] =	ssyncset.s32 @!p0 $0xFFFFF086;
	s6 =	sadd.s32 @!p0 s3, s7;
	s7 =	simm.s32 @!p0 $0x108  }
0x21: {  	s3 =	sadd.s32 s3, s9;
	s6 =	sadd.s32 @!p0 $0x88, s6;
	s7 =	simm.s32 @p2 $0x1082  }
0x22: {  	[simem:s7], [sflag:s8] =	dma.local @!p0 [hbm:s6], $0xF7A  }
0x23: {  	s9 =	sor.u32 $0xD0000000, s2;
	s6 =	simm.s32 $0x108;
	_ =	swait.ge @!p0 [sflag:s8], $0x0  }
0x24: {  	s3 =	sadd.s32 $0x88, s3;
	s6 =	simm.s32 @!p1 $0x1082;
	[sflag:s4] =	ssyncset.s32 $0xFFFFF086  }
0x25: {  	[simem:s6], [sflag:s4] =	dma.local [hbm:s3], $0xF7A  }
0x26: {  	[smem:$0x3F9D] =	sst s1;
	(tag) =	ssettag s2;
	_ =	strace s9  }
0x27: {  	s1 =	sld [smem:$0x3FAD]  }
0x28: {  	s2 =	sld [smem:$0x3FAE]  }
0x29: {  	s4 =	sld [smem:$0x3FB0]  }
0x2a: {  	p0 =	seq.s32 s5, $0x0;
	s5 =	sld [smem:$0x3FB1]  }
0x2b: {  	s6 =	sld [smem:$0x3FB2]  }
0x2c: {  	s7 =	sld [smem:$0x3FB3]  }
0x2d: {  	s3 =	simm.s32 $0x108;
	s8 =	sld [smem:$0x3FB4]  }
0x2e: {  	s3 =	simm.s32 @!p0 $0x1082;
	s9 =	sld [smem:$0x3FB5]  }
0x2f: {  	lr =	sadd.s32 s0, s3;
	s0 =	sld [smem:$0x3FAC]  }
0x30: {  	s3 =	sld [smem:$0x3FAF]  }
0x31: {  	[smem:$0x3FB8] =	sst s10  }
0x32: {  	s10 =	sld [smem:$0x3FB6];
	_ =	sdelay $0x3  }
0x33: {  	p0 =	seq.s32 s10, $0x1;
	s10 =	sld [smem:$0x3FB8];
	_ =	sdelay $0x3  }
0x34: {  	[smem:$0x3FB8] =	sst s10  }
0x35: {  	s10 =	sld [smem:$0x3FB7];
	_ =	sdelay $0x3  }
0x36: {  	p1 =	seq.s32 s10, $0x1;
	s10 =	sld [smem:$0x3FB8];
	_ =	sdelay $0x3  }
0x37: {  	[smem:$0x3FB8] =	sst s10  }
0x38: {  	s10 =	sld [smem:$0x3FB9]  }
0x39: {  	_ = 	snop;
	(pc) =	sbr.ind lr, $3  }
0x3a: {  	_ = 	snop  }
0x3b: {  	_ = 	snop  }
0x3c: {  	p2 =	seq.s32 s10, $0x1;
	s10 =	sld [smem:$0x3FB8]  }
0x3d: {  	_ =	shalt  }
0x3e: {  	_ =	shalt  }
0x3f: {  	_ =	shalt  }
0x40: {  	_ =	shalt  }
0x41: {  	_ =	shalt  }
0x42: {  	_ =	shalt  }
0x43: {  	_ =	shalt  }
0x44: {  	_ =	shalt  }
0x45: {  	_ =	shalt  }
0x46: {  	_ =	shalt  }
0x47: {  	_ =	shalt  }
0x48: {  	_ =	shalt  }
0x49: {  	_ =	shalt  }
0x4a: {  	_ =	shalt  }
0x4b: {  	_ =	shalt  }
0x4c: {  	_ =	shalt  }
0x4d: {  	_ =	shalt  }
0x4e: {  	_ =	shalt  }
0x4f: {  	_ =	shalt  }
0x50: {  	_ =	shalt  }
0x51: {  	_ =	shalt  }
0x52: {  	_ =	shalt  }
0x53: {  	_ =	shalt  }
0x54: {  	_ =	shalt  }
0x55: {  	_ =	shalt  }
0x56: {  	_ =	shalt  }
0x57: {  	_ =	shalt  }
0x58: {  	_ =	shalt  }
0x59: {  	_ =	shalt  }
0x5a: {  	_ =	shalt  }
0x5b: {  	_ =	shalt  }
0x5c: {  	_ =	shalt  }
0x5d: {  	_ =	shalt  }
0x5e: {  	_ =	shalt  }
0x5f: {  	_ =	shalt  }
0x60: {  	_ =	shalt  }
0x61: {  	_ =	shalt  }
0x62: {  	_ =	shalt  }
0x63: {  	_ =	shalt  }
0x64: {  	_ =	shalt  }
0x65: {  	_ =	shalt  }
0x66: {  	_ =	shalt  }
0x67: {  	_ =	shalt  }
0x68: {  	_ =	shalt  }
0x69: {  	_ =	shalt  }
0x6a: {  	_ =	shalt  }
0x6b: {  	_ =	shalt  }
0x6c: {  	_ =	shalt  }
0x6d: {  	_ =	shalt  }
0x6e: {  	_ =	shalt  }
0x6f: {  	_ =	shalt  }
0x70: {  	_ =	shalt  }
0x71: {  	_ =	shalt  }
0x72: {  	_ =	shalt  }
0x73: {  	_ =	shalt  }
0x74: {  	_ =	shalt  }
0x75: {  	_ =	shalt  }
0x76: {  	_ =	shalt  }
0x77: {  	_ =	shalt  }
0x78: {  	_ =	shalt  }
0x79: {  	_ =	shalt  }
0x7a: {  	_ =	shalt  }
0x7b: {  	_ =	shalt  }
0x7c: {  	_ =	shalt  }
0x7d: {  	_ =	shalt  }
0x7e: {  	_ =	shalt  }
0x7f: {  	_ =	shalt  }
0x80: {  	_ =	shalt  }
0x81: {  	_ =	shalt  }
0x82: {  	_ =	shalt  }
0x83: {  	_ =	shalt  }
0x84: {  	_ =	shalt  }
0x85: {  	_ =	shalt  }
0x86: {  	_ =	shalt  }
0x87: {  	_ =	shalt  }
.Lfunc_end0:
.L_simem_size_0:
called_computation_lowered:
.L_overlay_start_0:
0x88: {  	s2 =	sld [smem:$0x3FD9]  }
0x89: {  	s3 =	sld [smem:$0x3FFE];
	_ =	sdelay $0x1  }
0x8a: {  	s1 =	srdreg.scid  }
0x8b: {  	s0 =	sand.u32 $0x1, s1  }
0x8c: {  	s18 =	sshll.u32 s0, $0xA;
	s2 =	sadd.s32 s3, s2  }
0x8d: {  	s2 =	sadd.s32 s2, s18  }
0x8e: {  	[smem:$0x3FC4] =	sst s2  }
0x8f: {  	_ = 	snop  }
0x90: {  	s2 =	sld [smem:$0x3FC8]  }
0x91: {  	s19 =	sld [smem:$0x3FC7]  }
0x92: {  	s4 =	sld [smem:$0x3FC6]  }
0x93: {  	s5 =	sld [smem:$0x3FD0];
	(tm) =	ssettm $0x1  }
0x94: {  	s6 =	sld [smem:$0x3FFB];
	_ =	sdelay $0x3  }
0x95: {  	_ =	strace s6  }
0x96: {  	s6 =	sld [smem:$0x3FFC];
	_ =	sdelay $0x3  }
0x97: {  	_ =	strace s6  }
0x98: {  	s6 =	sld [smem:$0x3FFD];
	_ =	sdelay $0x3  }
0x99: {  	_ =	strace s6  }
0x9a: {  	_ =	strace $0x8FFFFFFF  }
0x9b: {  	s20 =	sld [smem:$0x3FDB];
	_ =	sdelay $0x1  }
0x9c: {  	s7 =	simm.s32 $_scs_section_size  }
0x9d: {  	s8 =	simm.s32 $_size__tile_overlayer_lowered;
	s9 =	simm.s32 $_tile_overlayer_lowered  }
0x9e: {  	s23 =	simm.s32 $0x1BFF;
	s22 =	sshll.u32 s9, $0x1;
	s6 =	sadd.s32 s7, s20  }
0x9f: {  	s10 =	simm.s32 $0x0;
	s21 =	sshll.u32 s8, $0x1;
	s8 =	sadd.s32 s22, s6  }
0xa0: {  	[timem:s10], [sflag:s23] =	dma.local [hbm:s8], s21  }
0xa1: {  	_ =	swait.ge [sflag:s23], s21  }
0xa2: {  	s7 =	ssub.s32 $0x0, s21;
	[sflag:s23] =	ssyncset.done $0x0  }
0xa3: {  	[sflag:s23] =	ssyncadd.s32 s7;
	_ =	sdelay $0x1  }
0xa4: {  	s24 =	simm.s32 $0x1B8B  }
0xa5: {  	_ =	swait.ge [sflag:s24], $0x1  }
0xa6: {  	[sflag:s24] =	ssyncset.done $0x0  }
0xa7: {  	s25 =	simm.s32 $0x1B8E;
	[sflag:s24] =	ssyncadd.s32 $0xFFFFFFFF  }
0xa8: {  	s26 =	simm.s32 $execute0_lowered;
	[smem:$0x3FD2] =	sst s25  }
0xa9: {  	s7 =	sshll.u32 s26, $0x1;
	_ =	strace $0x80000046;
	[dreg:$0x1] =	wrdreg $0xFFFFFFFF  }
0xaa: {  	s28 =	simm.s32 $_size_execute0_lowered;
	s6 =	sadd.s32 s6, s7;
	[dreg:$0x0] =	wrdreg $0x0  }
0xab: {  	s7 =	sshll.u32 s28, $0x1;
	[dreg:$0x2] =	wrdreg s6  }
0xac: {  	[dreg:$0x3] =	wrdreg s7  }
0xad: {  	[dreg:$0x4] =	wrdreg $0xC0  }
0xae: {  	_ =	task [dreg:s10], $0x5FFFF  }
0xaf: {  	[dreg:$0x1] =	wrdreg $0xFFFFFFFF  }
0xb0: {  	[dreg:$0x0] =	wrdreg $0x60  }
0xb1: {  	[dreg:$0x2] =	wrdreg s2  }
0xb2: {  	[dreg:$0x3] =	wrdreg s19  }
0xb3: {  	[dreg:$0x4] =	wrdreg s4  }
0xb4: {  	[dreg:$0x5] =	wrdreg s5  }
0xb5: {  	[dreg:$0x6] =	wrdreg $0x12800  }
0xb6: {  	[dreg:$0x7] =	wrdreg $0x9  }
0xb7: {  	_ =	task.clear_ibuf [dreg:s10], $0x8FFFF;
	_ =	strace $0x90000046  }
0xb8: {  	s29 =	simm.s32 $0x9;
	_ =	strace $0x80000048  }
0xb9: {  	_ =	swait.ge [sflag:s29], $0x1  }
0xba: {  	[sflag:s29] =	ssyncadd.s32 $0xFFFFFFFF  }
0xbb: {  	_ =	strace $0x90000048  }
0xbc: {  	_ =	sfence  }
0xbd: {  	s30 =	sld [smem:$0x0];
	_ =	sdelay $0x2  }
0xbe: {  	s31 =	sshll.u32 s1, $0xD;
	s1 =	sshrl.u32 s1, $0x2  }
0xbf: {  	s3 =	sand.u32 $0x4000, s31;
	s1 =	sadd.s32 s1, s30  }
0xc0: {  	s0 =	sor.u32 s3, s0;
	s1 =	sshll.u32 s1, $0x11  }
0xc1: {  	s0 =	sor.u32 s1, s0  }
0xc2: {  	s0 =	sadd.s32 $0x8F2B, s0  }
0xc3: {  	[sflag:s0] =	ssyncadd.remote.s32 $0x1  }
0xc4: {  	_ =	sfence.sel $0xFFFF  }
0xc5: {  	[dreg:$0x0] =	wrdreg $0xFFFFFFFF;
	(pc) =	sbr.abs _section_cstart, $3  }
0xc6: {  	[dreg:$0x1] =	wrdreg $0xFFFFFFFF  }
0xc7: {  	_ =	task.clear_ibuf [dreg:s10], $0x2FFFF;
	_ =	strace $0x9FFFFFFF  }
0xc8: {  	(tm) =	ssettm $0x7FFFFFFF  }
0xc9: {  	_ =	shalt  }
tec
execute0_lowered:
.L_overlay_start_1:
0x0: {  	(tag) =	ssettag $0x1  }
0x1: {  	s6 =	rddreg [dreg:$0x0]  }
0x2: {  	s4 =	rddreg [dreg:$0x1]  }
0x3: {  	s5 =	rddreg [dreg:$0x2]  }
0x4: {  	s8 =	rddreg [dreg:$0x3]  }
0x5: {  	s0 =	srdreg.scid;
	s1 =	rddreg [dreg:$0x4];
	s3 =	simm.s32 $0x0  }
0x6: {  	s2 =	stileid.u32;
	s13 =	simm.s32 $0x1;
	s14 =	simm.s32 $0x2  }
0x7: {  	s15 =	simm.s32 $0x180;
	s16 =	simm.s32 $0x200;
	s17 =	simm.s32 $0x3  }
0x8: {  	s20 =	simm.s32 $0x0;
	s7 =	sand.u32 $0x1, s0;
	s0 =	rddreg [dreg:$0x5]  }
0x9: {  	[smem:$0x7FF] =	sst s3;
	s30 =	sshll.u32 s2, $0x4;
	s11 =	sshll.u32 s2, $0xB  }
0xa: {  	s12 =	sshll.u32 s2, $0xC;
	s18 =	sshll.u32 s2, $0x6;
	s9 =	ssub.s32 $0x2, s7  }
0xb: {  	_ =	strace $0x80000047;
	s4 =	sadd.s32 s4, s30;
	s7 =	sshll.u32 s7, $0xF  }
0xc: {  	s5 =	sadd.s32 s5, s30;
	s6 =	sadd.s32 s6, s30;
	s18 =	sor.u32 $0x1C03, s18  }
0xd: {  	s10 =	sshrl.u32 s9, $0x1;
	s11 =	sor.u32 s11, s7;
	s7 =	sadd.s32 s12, s1  }
0xe: {  	s12 =	simm.s32 $0x280;
	s9 =	ssub.s32 s9, s10;
	s31 =	sshrl.u32 s11, $0x3  }
0xf: {  	s19 =	sadd.s32 s11, s1;
	s10 =	simm.s32 $0x80;
	s11 =	simm.s32 $0x100  }
0x10: {  	v0 =	vimm.f32 $0.0e+00;
	s8 =	sadd.s32 s8, s31;
	s9 =	smax.u32 s9, $0x1;
	s19 =	sshrl.u32 s19, $0x3  }
.LBB2_1:
0x11: {  	[tilespmem:s3], [sflag:$0x1] =	stream.linear.gather [hbm4b:s4+s3], $0x80, $0x38;
	[tilespmem:$0x2280] =	vst v63  }
0x12: {  	_ = 	snop  }
0x13: {  	[tilespmem:s10], [sflag:$0x1] =	stream.linear.gather [hbm4b:s5+s3], $0x80, $0x38;
	[tilespmem:$0x2280] =	vst v63  }
0x14: {  	s21 =	simm.s32 $0x0;
	s22 =	simm.s32 $0x200  }
0x15: {  	[tilespmem:s11], [sflag:$0x1] =	stream.linear.gather [hbm4b:s6+s3], $0x80, $0x38;
	[tilespmem:$0x2280] =	vst v63  }
.LBB2_2:
0x16: {  	p0 =	sne.s32 s22, $0x3E00;
	[tilespmem:s21+$0x2F0] =	vst v0  }
0x17: {  	[tilespmem:s21+$0x280] =	vst v0  }
0x18: {  	[tilespmem:s21+$0x290] =	vst v0  }
.Ltmp0:
0x19: {  	[tilespmem:s21+$0x2A0] =	vst v0;
	(pc) =	sbr.rel @p0 .LBB2_2-.Ltmp0, $4  }
0x1a: {  	[tilespmem:s21+$0x2B0] =	vst v0  }
0x1b: {  	[tilespmem:s21+$0x2C0] =	vst v0  }
0x1c: {  	[tilespmem:s21+$0x2D0] =	vst v0  }
0x1d: {  	[tilespmem:s21+$0x2E0] =	vst v0;
	s21 =	sshra.s32 s22, $0x2;
	s22 =	sadd.s32 $0x200, s22  }
0x1e: {  	[tilespmem:s21+$0x2F0] =	vst v0  }
0x1f: {  	[tilespmem:s21+$0x280] =	vst v0  }
0x20: {  	[tilespmem:s21+$0x290] =	vst v0  }
0x21: {  	[tilespmem:s21+$0x2A0] =	vst v0  }
0x22: {  	[tilespmem:s21+$0x2B0] =	vst v0  }
0x23: {  	[tilespmem:s21+$0x2C0] =	vst v0  }
0x24: {  	[tilespmem:s21+$0x2D0] =	vst v0  }
0x25: {  	[tilespmem:s21+$0x2E0] =	vst v0  }
0x26: {  	[spmem:s7] =	stream.linear.scatter [tilespmem:s12], [sflag:$0x2], $0x1000, $0x38;
	[tilespmem:$0x2280] =	vst v63  }
0x27: {  	_ =	swait.ge [sflag:s13], $0x80  }
0x28: {  	[sflag:s13] =	ssyncset.done $0x0  }
0x29: {  	[sflag:s13] =	ssyncadd.s32 $0xFFFFFF80  }
0x2a: {  	_ =	swait.ge [sflag:s13], $0x80  }
0x2b: {  	[sflag:s13] =	ssyncset.done $0x0  }
0x2c: {  	[sflag:s13] =	ssyncadd.s32 $0xFFFFFF80  }
0x2d: {  	_ =	swait.ge [sflag:s13], $0x80  }
0x2e: {  	[sflag:s13] =	ssyncset.done $0x0  }
0x2f: {  	[sflag:s13] =	ssyncadd.s32 $0xFFFFFF80  }
0x30: {  	v1 =	vld [tilespmem:$0x100]  }
0x31: {  	v2 =	vld [tilespmem:$0x110];
	_ =	sdelay $0x1  }
0x32: {  	v3 =	vld [tilespmem:$0x0]  }
0x33: {  	v4 =	vld [tilespmem:$0x120]  }
0x34: {  	v5 =	vld [tilespmem:$0x80];
	v1 =	vmul.f32 $1.442695020e+00, v1  }
0x35: {  	v6 =	vld [tilespmem:$0x130];
	v2 =	vmul.f32 $1.442695020e+00, v2  }
0x36: {  	v7 =	vld [tilespmem:$0x140];
	(erf) = vpow2.f32 v1  }
0x37: {  	v1 =	vld [tilespmem:$0x10];
	(erf) = vpow2.f32 v2  }
0x38: {  	v8 =	vld [tilespmem:$0x90];
	v2 =	vmul.f32 $1.442695020e+00, v4  }
0x39: {  	v51 =	vld [tilespmem:$0x150]  }
0x3a: {  	v9 =	vld [tilespmem:$0x20];
	v3 =	vshll.u32 v3, $0x7;
	(erf) = vpow2.f32 v2;
	v2 =	vmul.f32 $1.442695020e+00, v6  }
0x3b: {  	v52 =	vld [tilespmem:$0x160];
	v3 =	vadd.s32 v5, v3  }
0x3c: {  	v10 =	vld [tilespmem:$0xA0];
	(erf) = vpow2.f32 v2;
	v2 =	vmul.f32 $1.442695020e+00, v7;
	v1 =	vshll.u32 v1, $0x7  }
0x3d: {  	v53 =	vld [tilespmem:$0x170];
	v1 =	vadd.s32 v8, v1  }
0x3e: {  	[tilespmem:$0x180] =	vst v3;
	(erf) = vpow2.f32 v2;
	v2 =	vmul.f32 $1.442695020e+00, v51  }
0x3f: {  	v54 =	vld [tilespmem:$0x30];
	[tilespmem:$0x190] =	vst v1;
	v3 =	vpop (erf)  }
0x40: {  	v55 =	vld [tilespmem:$0xB0];
	v56 =	vshll.u32 v9, $0x7;
	(erf) = vpow2.f32 v2;
	v2 =	vmul.f32 $1.442695020e+00, v52;
	[tilespmem:$0x200] =	vst v3;
	v1 =	vpop (erf)  }
0x41: {  	v3 =	vld [tilespmem:$0x40];
	[tilespmem:$0x210] =	vst v1;
	v1 =	vadd.s32 v10, v56  }
0x42: {  	v57 =	vld [tilespmem:$0xC0];
	(erf) = vpow2.f32 v2;
	v2 =	vmul.f32 $1.442695020e+00, v53  }
0x43: {  	v58 =	vld [tilespmem:$0x50]  }
0x44: {  	v59 =	vld [tilespmem:$0xD0];
	v5 =	vshll.u32 v54, $0x7;
	[tilespmem:$0x1A0] =	vst v1;
	v1 =	vpop (erf)  }
0x45: {  	v60 =	vld [tilespmem:$0x60];
	[tilespmem:$0x220] =	vst v1;
	v1 =	vadd.s32 v55, v5  }
0x46: {  	(erf) = vpow2.f32 v2;
	v2 =	vpop (erf);
	[tilespmem:$0x1B0] =	vst v1;
	v1 =	vshll.u32 v3, $0x7;
	v3 =	vld [tilespmem:$0xE0]  }
0x47: {  	[tilespmem:$0x230] =	vst v2;
	v2 =	vld [tilespmem:$0x70];
	v1 =	vadd.s32 v57, v1  }
0x48: {  	v62 =	vld [tilespmem:$0xF0];
	[tilespmem:$0x1C0] =	vst v1;
	v1 =	vshll.u32 v58, $0x7  }
0x49: {  	v1 =	vadd.s32 v59, v1  }
0x4a: {  	[tilespmem:$0x1D0] =	vst v1;
	v1 =	vshll.u32 v60, $0x7  }
0x4b: {  	v1 =	vadd.s32 v3, v1  }
0x4c: {  	v61 =	vpop (erf);
	[tilespmem:$0x1E0] =	vst v1;
	v1 =	vshll.u32 v2, $0x7  }
0x4d: {  	[tilespmem:$0x240] =	vst v61;
	v63 =	vpop (erf);
	v1 =	vadd.s32 v62, v1  }
0x4e: {  	[tilespmem:$0x250] =	vst v63;
	v3 =	vpop (erf)  }
0x4f: {  	[tilespmem:$0x260] =	vst v3  }
0x50: {  	[tilespmem:$0x1F0] =	vst v1;
	v1 =	vpop (erf)  }
0x51: {  	[tilespmem:$0x270] =	vst v1  }
0x52: {  	_ =	swait.ge [sflag:s14], $0x1000  }
0x53: {  	[sflag:s14] =	ssyncset.done $0x0  }
0x54: {  	[sflag:s14] =	ssyncadd.s32 $0xFFFFF000  }
0x55: {  	[bflag:$0x0] =	sbarrier.arrive $0xFFFF  }
0x56: {  	[spmem:s1] =	stream.indirect.scatter.add.f32 [tilespmem:s16], [sflag:$0x3], $0x1, s15, s10, $0xb8;
	[tilespmem:$0x2280] =	vst v63  }
0x57: {  	_ =	swait.ge [sflag:s17], $0x80  }
0x58: {  	s20 =	sadd.s32 $0x1, s20;
	[sflag:s17] =	ssyncset.done $0x0  }
0x59: {  	p0 =	sne.s32 s20, s9;
	[sflag:s17] =	ssyncadd.s32 $0xFFFFFF80  }
.Ltmp1:
0x5a: {  	[bflag:$0x0] =	sbarrier.arrive $0xFFFF;
	(pc) =	sbr.rel @p0 .LBB2_1-.Ltmp1, $4  }
0x5b: {  	[hbm:s8], [sflag:s18] =	dma.local [spmem:s19], $0x100  }
0x5c: {  	_ =	swait.ge [sflag:s17], $0x100  }
0x5d: {  	[sflag:s17] =	ssyncset.done $0x0  }
0x5e: {  	[sflag:s17] =	ssyncadd.s32 $0xFFFFFF00  }
0x5f: {  	_ =	sfence.sel $0x180000  }
0x60: {  	[bflag:$0x0] =	sbarrier.arrive $0xFFFF  }
0x61: {  	p0 =	sne.s32 s2, $0x0;
	_ =	strace $0x90000047  }
0x62: {  	s0 =	sadd.s32 @!p0 $0x100000, s0;
	[bflag:$0x2] =	sbarrier.arrive $0xFFFF  }
0x63: {  	[sflag:s0] =	ssyncadd.tile.s32 @!p0 $0x1;
	_ =	shalt  }
.Lfunc_end2:
_tile_overlayer_lowered:
.L_overlay_start_2:
0x64: {  	(tag) =	ssettag $0x2  }
0x65: {  	s0 =	rddreg [dreg:$0x0];
	s2 =	stileid.u32  }
0x66: {  	s1 =	rddreg [dreg:$0x1];
	p0 =	sne.s32 s2, $0x0  }
0x67: {  	s3 =	rddreg [dreg:$0x2];
	[bflag:$0x3] =	sbarrier.arrive $0xFFFF;
	s2 =	simm.s32 @!p0 $0x1C03  }
0x68: {  	[timem:s3], [sflag:s2] =	dma.local @!p0 [hbm:s0], s1  }
0x69: {  	s0 =	simm.s32 @!p0 $0x3  }
0x6a: {  	_ =	swait.ge @!p0 [sflag:s0], s1  }
0x6b: {  	s1 =	ssub.s32 @!p0 $0x0, s1;
	[sflag:s0] =	ssyncset.done @!p0 $0x0  }
0x6c: {  	[sflag:s0] =	ssyncadd.s32 @!p0 s1  }
0x6d: {  	[bflag:$0x3] =	sbarrier.arrive $0xFFFF  }
0x6e: {  	_ =	shalt  }

</sc_bundles>
